<compile_context>
chip_gen: v7x
topology: tpu7x:2x2x1
jax: 0.10.2.dev20260603
libtpu: 0.0.44.dev20260713+nightly
codegen_flags: <defaults>
</compile_context>

<pallas_src>
import jax
import jax.numpy as jnp
import numpy as np
from jax.experimental import pallas as pl
from jax.experimental.pallas import tpu as pltpu


B, L, D_IN, D_EMB = 1024, 64, 512, 1024
K = 18
BB = 8
FL = BB * L
RK = BB * K
NSTEP1 = B // BB
ROWS = B * K
R2 = 512
NSTEP2 = ROWS // R2
NEG = float("-inf")
HIGHEST = jax.lax.Precision.HIGHEST
IMIN = -2147483648


def _consts():
    i = np.arange(FL)
    same = (i[:, None] // L) == (i[None, :] // L)
    tie = same & (i[None, :] < i[:, None])
    le = same & (i[:, None] <= i[None, :])
    diag = i[:, None] == i[None, :]
    q = np.arange(RK)
    qb = (q[:, None] // K) == (i[None, :] // L)
    qs = np.tile((q % K)[:, None], (1, FL))
    f32 = lambda a: jnp.asarray(a, jnp.float32)
    return (f32(same), f32(tie), f32(le), f32(diag), f32(qb), f32(qs),
            jnp.asarray(i[:, None], jnp.int32))


def _k1(feat_ref, tr_ref, ic_ref, same_ref, tie_ref, le_ref,
        diag_ref, qb_ref, qs_ref, wg1_ref, bg1_ref, wg2_ref, wm1_ref,
        bm1_ref, z1_ref, sel_ref, zsum_ref, zsq_ref):
    f2 = feat_ref[...].reshape(FL, D_IN)
    h = jnp.maximum(jax.lax.dot_general(
        f2, wg1_ref[...], (((1,), (1,)), ((), ())),
        preferred_element_type=jnp.float32) + bg1_ref[...], 0.0)
    sameb = same_ref[...] != 0.0
    diagb = diag_ref[...] != 0.0
    g2c = jnp.sum(jnp.where(diagb, wg2_ref[...], 0.0), axis=1,
                  keepdims=True)
    g2m = jnp.where(
        jax.lax.broadcasted_iota(jnp.int32, (FL, 128), 1) == 0, g2c, 0.0)
    wcol = jnp.dot(h, g2m,
                   preferred_element_type=jnp.float32)[:, 0:1]
    tj = tr_ref[0]
    tmax = jnp.max(jnp.where(sameb, tj, IMIN), axis=1, keepdims=True)
    lanej = jax.lax.broadcasted_iota(jnp.int32, (FL, FL), 1)
    firstmax = jnp.min(jnp.where(sameb & (tj == tmax), lanej, FL),
                       axis=1, keepdims=True)
    tc = jnp.max(jnp.where(diagb, tj, IMIN), axis=1, keepdims=True)
    ic = ic_ref[...]
    kill = (ic == firstmax) | ((ic & (L - 1)) == 0) | (tc == 0)
    wcol = jnp.where(kill, NEG, wcol)

    wrow = jnp.max(jnp.where(diagb, wcol, NEG), axis=0, keepdims=True)

    beats = (jnp.where(wrow > wcol, same_ref[...], 0.0)
             + jnp.where(wrow == wcol, tie_ref[...], 0.0))
    rank = jnp.sum(beats, axis=1, keepdims=True)
    mcol = rank < float(K)
    pos = jnp.sum(jnp.where(mcol, le_ref[...], 0.0), axis=0,
                  keepdims=True) - 1.0
    mrow = jnp.sum(jnp.where(mcol & diagb, 1.0, 0.0), axis=0,
                   keepdims=True)

    p = jnp.where((pos == qs_ref[...]) & (mrow != 0.0), qb_ref[...], 0.0)
    sel = jnp.dot(p, f2, precision=HIGHEST,
                  preferred_element_type=jnp.float32)

    nrm = jnp.sqrt(jnp.sum(sel * sel, axis=1, keepdims=True)) + 1e-8
    seln = sel / nrm
    sel_ref[...] = seln

    z1 = jax.lax.dot_general(
        seln, wm1_ref[...], (((1,), (1,)), ((), ())),
        preferred_element_type=jnp.float32) + bm1_ref[...]
    z1_ref[...] = z1
    zsum_ref[...] = jnp.sum(z1, axis=0, keepdims=True)[None]
    zsq_ref[...] = jnp.sum(z1 * z1, axis=0, keepdims=True)[None]


def _k2(z1_ref, sel_ref, zsum_ref, zsq_ref, wlin_ref, blin_ref, wm2_ref,
        bm2_ref, g_ref, bt_ref, out_ref):
    n = float(ROWS)
    mu = jnp.sum(zsum_ref[...], axis=0) / n
    var = jnp.sum(zsq_ref[...], axis=0) / n - mu * mu
    rstd = jax.lax.rsqrt(var + 1e-5)
    zn = (z1_ref[...] - mu) * (rstd * g_ref[...]) + bt_ref[...]
    a = jnp.maximum(zn, 0.0)
    tdot = lambda x, w: jax.lax.dot_general(
        x, w, (((1,), (1,)), ((), ())),
        preferred_element_type=jnp.float32)
    mlp = tdot(a, wm2_ref[...]) + bm2_ref[...]
    cap = tdot(sel_ref[...].astype(jnp.bfloat16), wlin_ref[...])
    out_ref[...] = mlp + cap + blin_ref[...]


def _stage1(features, text, W_g1, b_g1, W_g2, W_m1, b_m1):
    trow = text.reshape(NSTEP1, 1, FL)
    row = lambda v: v.reshape(1, -1)
    same, tie, le, diag, qb, qs, icol = _consts()
    cst = lambda shape: pl.BlockSpec(shape, lambda i: (0,) * len(shape))

    z1, sel, zsum, zsq = pl.pallas_call(
        _k1,
        grid=(NSTEP1,),
        in_specs=[
            pl.BlockSpec((BB, L, D_IN), lambda i: (i, 0, 0)),
            pl.BlockSpec((1, 1, FL), lambda i: (i, 0, 0)),
            cst((FL, 1)),
            cst((FL, FL)),
            cst((FL, FL)),
            cst((FL, FL)),
            cst((FL, FL)),
            cst((RK, FL)),
            cst((RK, FL)),
            cst((D_IN, D_IN)),
            cst((1, D_IN)),
            cst((1, D_IN)),
            cst((D_IN, D_IN)),
            cst((1, D_IN)),
        ],
        out_specs=[
            pl.BlockSpec((RK, D_IN), lambda i: (i, 0)),
            pl.BlockSpec((RK, D_IN), lambda i: (i, 0)),
            pl.BlockSpec((1, 1, D_IN), lambda i: (i, 0, 0)),
            pl.BlockSpec((1, 1, D_IN), lambda i: (i, 0, 0)),
        ],
        out_shape=[
            jax.ShapeDtypeStruct((ROWS, D_IN), jnp.float32),
            jax.ShapeDtypeStruct((ROWS, D_IN), jnp.float32),
            jax.ShapeDtypeStruct((NSTEP1, 1, D_IN), jnp.float32),
            jax.ShapeDtypeStruct((NSTEP1, 1, D_IN), jnp.float32),
        ],
        compiler_params=pltpu.CompilerParams(
            dimension_semantics=("parallel",)),
    )(features, trow, icol, same, tie, le, diag, qb, qs,
      W_g1, row(b_g1), W_g2, W_m1, row(b_m1))
    return z1, sel, zsum, zsq


def kernel(features, text, atten, W_g1, b_g1, W_g2, b_g2, W_lin, b_lin,
           W_m1, b_m1, bn_gamma, bn_beta, W_m2, b_m2):
    del atten, b_g2
    z1, sel, zsum, zsq = _stage1(features, text, W_g1, b_g1, W_g2,
                                 W_m1, b_m1)
    row = lambda v: v.reshape(1, -1)
    cst = lambda shape: pl.BlockSpec(shape, lambda i: (0,) * len(shape))

    out = pl.pallas_call(
        _k2,
        grid=(NSTEP2,),
        in_specs=[
            pl.BlockSpec((R2, D_IN), lambda i: (i, 0)),
            pl.BlockSpec((R2, D_IN), lambda i: (i, 0)),
            cst((NSTEP1, 1, D_IN)),
            cst((NSTEP1, 1, D_IN)),
            cst((D_EMB, D_IN)),
            cst((1, D_EMB)),
            cst((D_EMB, D_IN)),
            cst((1, D_EMB)),
            cst((1, D_IN)),
            cst((1, D_IN)),
        ],
        out_specs=pl.BlockSpec((R2, D_EMB), lambda i: (i, 0)),
        out_shape=jax.ShapeDtypeStruct((ROWS, D_EMB), jnp.float32),
        compiler_params=pltpu.CompilerParams(
            dimension_semantics=("parallel",)),
    )(z1, sel, zsum, zsq, W_lin.astype(jnp.bfloat16), row(b_lin),
      W_m2, row(b_m2), row(bn_gamma), row(bn_beta))

    return out.reshape(B, K, D_EMB)

# --- scband reference (transcript-rebuilt; emitter-appended) ---
"""Pipeline reference for scband-texual-embedding-layer-adaptive-18399639896076 (READ-ONLY COPY).

The authoritative reference and input builder live on the scoring server;
editing this copy changes nothing except your own understanding.
"""

import jax, jax.numpy as jnp
import numpy as np

RATIO = 0.3
B, L, D_IN, D_EMB = 1024, 64, 512, 1024
VOCAB = 49408


def l2norm(X, eps=1e-8):
    norm = jnp.sqrt(jnp.sum(jnp.square(X), axis=-1, keepdims=True)) + eps
    return X / norm


def setup_inputs(seed: int = 0):
    key = jax.random.key(seed)
    ks = jax.random.split(key, 16)
    s = 0.02
    return {
        "features": jax.random.normal(ks[0], (B, L, D_IN), dtype=jnp.float32),
        "text": jax.random.randint(ks[1], (B, L), 0, VOCAB, dtype=jnp.int32),
        "atten": jax.random.uniform(ks[2], (B, L, L), dtype=jnp.float32),
        "W_g1": jax.random.normal(ks[3], (D_IN, D_IN), dtype=jnp.float32) * s,
        "b_g1": jnp.zeros((D_IN,), jnp.float32),
        "W_g2": jax.random.normal(ks[4], (1, D_IN), dtype=jnp.float32) * s,
        "b_g2": jnp.zeros((1,), jnp.float32),
        "W_lin": jax.random.normal(ks[5], (D_EMB, D_IN), dtype=jnp.float32) * s,
        "b_lin": jnp.zeros((D_EMB,), jnp.float32),
        "W_m1": jax.random.normal(ks[6], (D_EMB // 2, D_IN), dtype=jnp.float32) * s,
        "b_m1": jnp.zeros((D_EMB // 2,), jnp.float32),
        "bn_gamma": jnp.ones((D_EMB // 2,), jnp.float32),
        "bn_beta": jnp.zeros((D_EMB // 2,), jnp.float32),
        "W_m2": jax.random.normal(ks[7], (D_EMB, D_EMB // 2), dtype=jnp.float32) * s,
        "b_m2": jnp.zeros((D_EMB,), jnp.float32),
    }


def reference(features, text, atten, W_g1, b_g1, W_g2, b_g2, W_lin, b_lin, W_m1, b_m1, bn_gamma, bn_beta, W_m2, b_m2):
    bs = features.shape[0]
    mask = (text != 0)
    k = int((atten.shape[1] - 2) * RATIO)
    # txt_weight_generator: Linear -> ReLU -> Linear
    h = jax.nn.relu(features @ W_g1.T + b_g1)
    weights = (h @ W_g2.T + b_g2)[..., 0]  # [B, L]
    rows = jnp.arange(bs)
    weights = weights.at[rows, jnp.argmax(text, axis=-1)].set(-jnp.inf)
    weights = weights.at[rows, 0].set(-jnp.inf)
    weights = jnp.where(mask, weights, -jnp.inf)
    weights = jax.nn.softmax(weights, axis=1)
    _, topk_idx = jax.lax.top_k(weights, k)
    topk_idx = jnp.sort(topk_idx, axis=1)
    sel = jnp.take_along_axis(features, topk_idx[:, :, None], axis=1)  # [B, k, D_IN]
    sel = l2norm(sel)
    # cap_emb in half precision
    cap = sel.astype(jnp.float16) @ W_lin.T.astype(jnp.float16) + b_lin.astype(jnp.float16)
    # MLP with BatchNorm1d (training-mode batch stats) on hidden layer
    x = sel.reshape(-1, sel.shape[-1])
    z = x @ W_m1.T + b_m1
    mu = jnp.mean(z, axis=0)
    var = jnp.var(z, axis=0)
    z = (z - mu) / jnp.sqrt(var + 1e-5) * bn_gamma + bn_beta
    z = jax.nn.relu(z)
    z = z @ W_m2.T + b_m2
    mlp_out = z.reshape(bs, k, -1)
    out = mlp_out + cap.astype(jnp.float32)
    return out.astype(jnp.float32)

if __name__ == "__main__":
    import jax
    _d = setup_inputs()
    print(jax.jit(kernel)(*tuple(_d.values())))

</pallas_src>

<mosaic_0001>
module attributes {stable_mosaic.version = 14 : i64} {
  func.func @_k1(%arg0: i32, %arg1: memref<8x64x512xf32, #tpu.memory_space<vmem>>, %arg2: memref<1x1x512xi32, #tpu.memory_space<vmem>>, %arg3: memref<512x1xi32, #tpu.memory_space<vmem>>, %arg4: memref<512x512xf32, #tpu.memory_space<vmem>>, %arg5: memref<512x512xf32, #tpu.memory_space<vmem>>, %arg6: memref<512x512xf32, #tpu.memory_space<vmem>>, %arg7: memref<512x512xf32, #tpu.memory_space<vmem>>, %arg8: memref<144x512xf32, #tpu.memory_space<vmem>>, %arg9: memref<144x512xf32, #tpu.memory_space<vmem>>, %arg10: memref<512x512xf32, #tpu.memory_space<vmem>>, %arg11: memref<1x512xf32, #tpu.memory_space<vmem>>, %arg12: memref<1x512xf32, #tpu.memory_space<vmem>>, %arg13: memref<512x512xf32, #tpu.memory_space<vmem>>, %arg14: memref<1x512xf32, #tpu.memory_space<vmem>>, %arg15: memref<144x512xf32, #tpu.memory_space<vmem>>, %arg16: memref<144x512xf32, #tpu.memory_space<vmem>>, %arg17: memref<1x1x512xf32, #tpu.memory_space<vmem>>, %arg18: memref<1x1x512xf32, #tpu.memory_space<vmem>>) attributes {dimension_semantics = [#tpu.dimension_semantics<parallel>], iteration_bounds = array<i64: 128>, scalar_prefetch = 0 : i64, scratch_operands = 0 : i64, tpu.core_type = #tpu.core_type<tc>, window_params = [{transform_indices = @transform_0, window_bounds = array<i64: 8, 64, 512>}, {transform_indices = @transform_1, window_bounds = array<i64: 1, 1, 512>}, {pipeline_mode = #tpu.pipeline_mode<synchronous>, transform_indices = @transform_2, window_bounds = array<i64: 512, 1>}, {pipeline_mode = #tpu.pipeline_mode<synchronous>, transform_indices = @transform_3, window_bounds = array<i64: 512, 512>}, {pipeline_mode = #tpu.pipeline_mode<synchronous>, transform_indices = @transform_4, window_bounds = array<i64: 512, 512>}, {pipeline_mode = #tpu.pipeline_mode<synchronous>, transform_indices = @transform_5, window_bounds = array<i64: 512, 512>}, {pipeline_mode = #tpu.pipeline_mode<synchronous>, transform_indices = @transform_6, window_bounds = array<i64: 512, 512>}, {pipeline_mode = #tpu.pipeline_mode<synchronous>, transform_indices = @transform_7, window_bounds = array<i64: 144, 512>}, {pipeline_mode = #tpu.pipeline_mode<synchronous>, transform_indices = @transform_8, window_bounds = array<i64: 144, 512>}, {pipeline_mode = #tpu.pipeline_mode<synchronous>, transform_indices = @transform_9, window_bounds = array<i64: 512, 512>}, {pipeline_mode = #tpu.pipeline_mode<synchronous>, transform_indices = @transform_10, window_bounds = array<i64: 1, 512>}, {pipeline_mode = #tpu.pipeline_mode<synchronous>, transform_indices = @transform_11, window_bounds = array<i64: 1, 512>}, {pipeline_mode = #tpu.pipeline_mode<synchronous>, transform_indices = @transform_12, window_bounds = array<i64: 512, 512>}, {pipeline_mode = #tpu.pipeline_mode<synchronous>, transform_indices = @transform_13, window_bounds = array<i64: 1, 512>}, {transform_indices = @transform_14, window_bounds = array<i64: 144, 512>}, {transform_indices = @transform_15, window_bounds = array<i64: 144, 512>}, {transform_indices = @transform_16, window_bounds = array<i64: 1, 1, 512>}, {transform_indices = @transform_17, window_bounds = array<i64: 1, 1, 512>}]} {
    %get3A = arith.constant 0 : index
    %get3A_0 = arith.constant 0 : index
    %get3A_1 = arith.constant 0 : index
    %get3A_2 = vector.load %arg1[%get3A, %get3A_0, %get3A_1] : memref<8x64x512xf32, #tpu.memory_space<vmem>>, vector<8x64x512xf32>
    %reshape3A = vector.shape_cast %get3A_2 : vector<8x64x512xf32> to vector<512x512xf32>
    %get3A_3 = arith.constant 0 : index
    %get3A_4 = arith.constant 0 : index
    %get3A_5 = vector.load %arg10[%get3A_3, %get3A_4] : memref<512x512xf32, #tpu.memory_space<vmem>>, vector<512x512xf32>
    %dot_general3A = arith.constant dense<0.000000e+00> : vector<512x512xf32>
    %dot_general3A_6 = tpu.matmul %reshape3A, %get3A_5, %dot_general3A {dimension_numbers = #tpu.dot_dimension_numbers<[1], [1], [0], [0], [0, 0, 1, 0], [], []>, transpose_lhs_hint = false} : vector<512x512xf32>, vector<512x512xf32>, vector<512x512xf32> -> vector<512x512xf32>
    %get3A_7 = arith.constant 0 : index
    %get3A_8 = arith.constant 0 : index
    %get3A_9 = vector.load %arg11[%get3A_7, %get3A_8] : memref<1x512xf32, #tpu.memory_space<vmem>>, vector<1x512xf32>
    %add3A = vector.broadcast %get3A_9 : vector<1x512xf32> to vector<512x512xf32>
    %add3A_10 = arith.addf %dot_general3A_6, %add3A : vector<512x512xf32>
    %max3A = arith.constant 0.000000e+00 : f32
    %max3A_11 = vector.broadcast %max3A : f32 to vector<512x512xf32>
    %max3A_12 = arith.maximumf %add3A_10, %max3A_11 : vector<512x512xf32>
    %get3A_13 = arith.constant 0 : index
    %get3A_14 = arith.constant 0 : index
    %get3A_15 = vector.load %arg4[%get3A_13, %get3A_14] : memref<512x512xf32, #tpu.memory_space<vmem>>, vector<512x512xf32>
    %ne3A = arith.constant 0.000000e+00 : f32
    %ne3A_16 = vector.broadcast %ne3A : f32 to vector<512x512xf32>
    %ne3A_17 = arith.cmpf one, %get3A_15, %ne3A_16 : vector<512x512xf32>
    %get3A_18 = arith.constant 0 : index
    %get3A_19 = arith.constant 0 : index
    %get3A_20 = vector.load %arg7[%get3A_18, %get3A_19] : memref<512x512xf32, #tpu.memory_space<vmem>>, vector<512x512xf32>
    %ne3A_21 = arith.constant 0.000000e+00 : f32
    %ne3A_22 = vector.broadcast %ne3A_21 : f32 to vector<512x512xf32>
    %ne3A_23 = arith.cmpf one, %get3A_20, %ne3A_22 : vector<512x512xf32>
    %get3A_24 = arith.constant 0 : index
    %get3A_25 = arith.constant 0 : index
    %get3A_26 = vector.load %arg12[%get3A_24, %get3A_25] : memref<1x512xf32, #tpu.memory_space<vmem>>, vector<1x512xf32>
    %jit3A = arith.constant 0.000000e+00 : f32
    %broadcast_in_dim3A = vector.shape_cast %get3A_26 : vector<1x512xf32> to vector<1x512xf32>
    %broadcast_in_dim3A_27 = vector.broadcast %broadcast_in_dim3A : vector<1x512xf32> to vector<512x512xf32>
    %broadcast_in_dim3A_28 = vector.broadcast %jit3A : f32 to vector<512x512xf32>
    %select_n3A = arith.select %ne3A_23, %broadcast_in_dim3A_27, %broadcast_in_dim3A_28 : vector<512x512xi1>, vector<512x512xf32>
    %reduce_sum3A = arith.constant dense<0.000000e+00> : vector<512xf32>
    %reduce_sum3A_29 = vector.multi_reduction <add>, %select_n3A, %reduce_sum3A [1] : vector<512x512xf32> to vector<512xf32>
    %broadcast_in_dim3A_30 = vector.shape_cast %reduce_sum3A_29 : vector<512xf32> to vector<512x1xf32>
    %iota3A = tpu.iota {dimensions = array<i32: 1>} : vector<512x128xi32>
    %eq3A = arith.constant 0 : i32
    %eq3A_31 = vector.broadcast %eq3A : i32 to vector<512x128xi32>
    %eq3A_32 = arith.cmpi eq, %iota3A, %eq3A_31 : vector<512x128xi32>
    %jit3A_33 = arith.constant 0.000000e+00 : f32
    %broadcast_in_dim3A_34 = vector.shape_cast %broadcast_in_dim3A_30 : vector<512x1xf32> to vector<512x1xf32>
    %broadcast_in_dim3A_35 = vector.broadcast %broadcast_in_dim3A_34 : vector<512x1xf32> to vector<512x128xf32>
    %broadcast_in_dim3A_36 = vector.broadcast %jit3A_33 : f32 to vector<512x128xf32>
    %select_n3A_37 = arith.select %eq3A_32, %broadcast_in_dim3A_35, %broadcast_in_dim3A_36 : vector<512x128xi1>, vector<512x128xf32>
    %dot_general3A_38 = arith.constant dense<0.000000e+00> : vector<512x128xf32>
    %dot_general3A_39 = tpu.matmul %max3A_12, %select_n3A_37, %dot_general3A_38 {dimension_numbers = #tpu.dot_dimension_numbers<[1], [0], [0], [1], [0, 0, 1, 1], [], []>, transpose_lhs_hint = false} : vector<512x512xf32>, vector<512x128xf32>, vector<512x128xf32> -> vector<512x128xf32>
    %slice3A = vector.extract_strided_slice %dot_general3A_39 {offsets = [0, 0], sizes = [512, 1], strides = [1, 1]} : vector<512x128xf32> to vector<512x1xf32>
    %get3A_40 = arith.constant 0 : index
    %get3A_41 = arith.constant 0 : index
    %get3A_42 = arith.constant 0 : index
    %get3A_43 = vector.load %arg2[%get3A_40, %get3A_41, %get3A_42] : memref<1x1x512xi32, #tpu.memory_space<vmem>>, vector<1x1x512xi32>
    %get3A_44 = vector.shape_cast %get3A_43 : vector<1x1x512xi32> to vector<1x512xi32>
    %jit3A_45 = arith.constant -2147483648 : i32
    %broadcast_in_dim3A_46 = vector.shape_cast %get3A_44 : vector<1x512xi32> to vector<1x512xi32>
    %broadcast_in_dim3A_47 = vector.broadcast %broadcast_in_dim3A_46 : vector<1x512xi32> to vector<512x512xi32>
    %broadcast_in_dim3A_48 = vector.broadcast %jit3A_45 : i32 to vector<512x512xi32>
    %select_n3A_49 = arith.select %ne3A_17, %broadcast_in_dim3A_47, %broadcast_in_dim3A_48 : vector<512x512xi1>, vector<512x512xi32>
    %reduce_max3A = arith.constant dense<-2147483648> : vector<512xi32>
    %reduce_max3A_50 = vector.multi_reduction <maxsi>, %select_n3A_49, %reduce_max3A [1] : vector<512x512xi32> to vector<512xi32>
    %broadcast_in_dim3A_51 = vector.shape_cast %reduce_max3A_50 : vector<512xi32> to vector<512x1xi32>
    %iota3A_52 = tpu.iota {dimensions = array<i32: 1>} : vector<512x512xi32>
    %eq3A_53 = vector.broadcast %get3A_44 : vector<1x512xi32> to vector<512x512xi32>
    %eq3A_54 = vector.broadcast %broadcast_in_dim3A_51 : vector<512x1xi32> to vector<512x512xi32>
    %eq3A_55 = arith.cmpi eq, %eq3A_53, %eq3A_54 : vector<512x512xi32>
    %and3A = arith.andi %ne3A_17, %eq3A_55 : vector<512x512xi1>
    %jit3A_56 = arith.constant 512 : i32
    %broadcast_in_dim3A_57 = vector.broadcast %jit3A_56 : i32 to vector<512x512xi32>
    %select_n3A_58 = arith.select %and3A, %iota3A_52, %broadcast_in_dim3A_57 : vector<512x512xi1>, vector<512x512xi32>
    %reduce_min3A = arith.constant dense<2147483647> : vector<512xi32>
    %reduce_min3A_59 = vector.multi_reduction <minsi>, %select_n3A_58, %reduce_min3A [1] : vector<512x512xi32> to vector<512xi32>
    %broadcast_in_dim3A_60 = vector.shape_cast %reduce_min3A_59 : vector<512xi32> to vector<512x1xi32>
    %jit3A_61 = arith.constant -2147483648 : i32
    %broadcast_in_dim3A_62 = vector.shape_cast %get3A_44 : vector<1x512xi32> to vector<1x512xi32>
    %broadcast_in_dim3A_63 = vector.broadcast %broadcast_in_dim3A_62 : vector<1x512xi32> to vector<512x512xi32>
    %broadcast_in_dim3A_64 = vector.broadcast %jit3A_61 : i32 to vector<512x512xi32>
    %select_n3A_65 = arith.select %ne3A_23, %broadcast_in_dim3A_63, %broadcast_in_dim3A_64 : vector<512x512xi1>, vector<512x512xi32>
    %reduce_max3A_66 = arith.constant dense<-2147483648> : vector<512xi32>
    %reduce_max3A_67 = vector.multi_reduction <maxsi>, %select_n3A_65, %reduce_max3A_66 [1] : vector<512x512xi32> to vector<512xi32>
    %broadcast_in_dim3A_68 = vector.shape_cast %reduce_max3A_67 : vector<512xi32> to vector<512x1xi32>
    %get3A_69 = arith.constant 0 : index
    %get3A_70 = arith.constant 0 : index
    %get3A_71 = vector.load %arg3[%get3A_69, %get3A_70] : memref<512x1xi32, #tpu.memory_space<vmem>>, vector<512x1xi32>
    %eq3A_72 = arith.cmpi eq, %get3A_71, %broadcast_in_dim3A_60 : vector<512x1xi32>
    %and3A_73 = arith.constant 63 : i32
    %and3A_74 = vector.broadcast %and3A_73 : i32 to vector<512x1xi32>
    %and3A_75 = arith.andi %get3A_71, %and3A_74 : vector<512x1xi32>
    %eq3A_76 = arith.constant 0 : i32
    %eq3A_77 = vector.broadcast %eq3A_76 : i32 to vector<512x1xi32>
    %eq3A_78 = arith.cmpi eq, %and3A_75, %eq3A_77 : vector<512x1xi32>
    %or3A = arith.ori %eq3A_72, %eq3A_78 : vector<512x1xi1>
    %eq3A_79 = arith.constant 0 : i32
    %eq3A_80 = vector.broadcast %eq3A_79 : i32 to vector<512x1xi32>
    %eq3A_81 = arith.cmpi eq, %broadcast_in_dim3A_68, %eq3A_80 : vector<512x1xi32>
    %or3A_82 = arith.ori %or3A, %eq3A_81 : vector<512x1xi1>
    %jit3A_83 = arith.constant 0xFF800000 : f32
    %broadcast_in_dim3A_84 = vector.broadcast %jit3A_83 : f32 to vector<512x1xf32>
    %select_n3A_85 = arith.select %or3A_82, %broadcast_in_dim3A_84, %slice3A : vector<512x1xi1>, vector<512x1xf32>
    %jit3A_86 = arith.constant 0xFF800000 : f32
    %broadcast_in_dim3A_87 = vector.shape_cast %select_n3A_85 : vector<512x1xf32> to vector<512x1xf32>
    %broadcast_in_dim3A_88 = vector.broadcast %broadcast_in_dim3A_87 : vector<512x1xf32> to vector<512x512xf32>
    %broadcast_in_dim3A_89 = vector.broadcast %jit3A_86 : f32 to vector<512x512xf32>
    %select_n3A_90 = arith.select %ne3A_23, %broadcast_in_dim3A_88, %broadcast_in_dim3A_89 : vector<512x512xi1>, vector<512x512xf32>
    %reduce_max3A_91 = arith.constant dense<0xFF800000> : vector<512xf32>
    %reduce_max3A_92 = vector.multi_reduction <maximumf>, %select_n3A_90, %reduce_max3A_91 [0] : vector<512x512xf32> to vector<512xf32>
    %broadcast_in_dim3A_93 = vector.shape_cast %reduce_max3A_92 : vector<512xf32> to vector<1x512xf32>
    %gt3A = vector.broadcast %broadcast_in_dim3A_93 : vector<1x512xf32> to vector<512x512xf32>
    %gt3A_94 = vector.broadcast %select_n3A_85 : vector<512x1xf32> to vector<512x512xf32>
    %gt3A_95 = arith.cmpf ogt, %gt3A, %gt3A_94 : vector<512x512xf32>
    %get3A_96 = arith.constant 0 : index
    %get3A_97 = arith.constant 0 : index
    %get3A_98 = vector.load %arg4[%get3A_96, %get3A_97] : memref<512x512xf32, #tpu.memory_space<vmem>>, vector<512x512xf32>
    %jit3A_99 = arith.constant 0.000000e+00 : f32
    %broadcast_in_dim3A_100 = vector.broadcast %jit3A_99 : f32 to vector<512x512xf32>
    %select_n3A_101 = arith.select %gt3A_95, %get3A_98, %broadcast_in_dim3A_100 : vector<512x512xi1>, vector<512x512xf32>
    %eq3A_102 = vector.broadcast %broadcast_in_dim3A_93 : vector<1x512xf32> to vector<512x512xf32>
    %eq3A_103 = vector.broadcast %select_n3A_85 : vector<512x1xf32> to vector<512x512xf32>
    %eq3A_104 = arith.cmpf oeq, %eq3A_102, %eq3A_103 : vector<512x512xf32>
    %get3A_105 = arith.constant 0 : index
    %get3A_106 = arith.constant 0 : index
    %get3A_107 = vector.load %arg5[%get3A_105, %get3A_106] : memref<512x512xf32, #tpu.memory_space<vmem>>, vector<512x512xf32>
    %jit3A_108 = arith.constant 0.000000e+00 : f32
    %broadcast_in_dim3A_109 = vector.broadcast %jit3A_108 : f32 to vector<512x512xf32>
    %select_n3A_110 = arith.select %eq3A_104, %get3A_107, %broadcast_in_dim3A_109 : vector<512x512xi1>, vector<512x512xf32>
    %add3A_111 = arith.addf %select_n3A_101, %select_n3A_110 : vector<512x512xf32>
    %reduce_sum3A_112 = arith.constant dense<0.000000e+00> : vector<512xf32>
    %reduce_sum3A_113 = vector.multi_reduction <add>, %add3A_111, %reduce_sum3A_112 [1] : vector<512x512xf32> to vector<512xf32>
    %broadcast_in_dim3A_114 = vector.shape_cast %reduce_sum3A_113 : vector<512xf32> to vector<512x1xf32>
    %lt3A = arith.constant 1.800000e+01 : f32
    %lt3A_115 = vector.broadcast %lt3A : f32 to vector<512x1xf32>
    %lt3A_116 = arith.cmpf olt, %broadcast_in_dim3A_114, %lt3A_115 : vector<512x1xf32>
    %get3A_117 = arith.constant 0 : index
    %get3A_118 = arith.constant 0 : index
    %get3A_119 = vector.load %arg6[%get3A_117, %get3A_118] : memref<512x512xf32, #tpu.memory_space<vmem>>, vector<512x512xf32>
    %jit3A_120 = arith.constant 0.000000e+00 : f32
    %broadcast_in_dim3A_121 = vector.shape_cast %lt3A_116 : vector<512x1xi1> to vector<512x1xi1>
    %broadcast_in_dim3A_122 = vector.broadcast %broadcast_in_dim3A_121 : vector<512x1xi1> to vector<512x512xi1>
    %broadcast_in_dim3A_123 = vector.broadcast %jit3A_120 : f32 to vector<512x512xf32>
    %select_n3A_124 = arith.select %broadcast_in_dim3A_122, %get3A_119, %broadcast_in_dim3A_123 : vector<512x512xi1>, vector<512x512xf32>
    %reduce_sum3A_125 = arith.constant dense<0.000000e+00> : vector<512xf32>
    %reduce_sum3A_126 = vector.multi_reduction <add>, %select_n3A_124, %reduce_sum3A_125 [0] : vector<512x512xf32> to vector<512xf32>
    %broadcast_in_dim3A_127 = vector.shape_cast %reduce_sum3A_126 : vector<512xf32> to vector<1x512xf32>
    %sub3A = arith.constant 1.000000e+00 : f32
    %sub3A_128 = vector.broadcast %sub3A : f32 to vector<1x512xf32>
    %sub3A_129 = arith.subf %broadcast_in_dim3A_127, %sub3A_128 : vector<1x512xf32>
    %and3A_130 = vector.broadcast %lt3A_116 : vector<512x1xi1> to vector<512x512xi1>
    %and3A_131 = arith.andi %and3A_130, %ne3A_23 : vector<512x512xi1>
    %jit3A_132 = arith.constant 1.000000e+00 : f32
    %jit3A_133 = arith.constant 0.000000e+00 : f32
    %broadcast_in_dim3A_134 = vector.broadcast %jit3A_132 : f32 to vector<512x512xf32>
    %broadcast_in_dim3A_135 = vector.broadcast %jit3A_133 : f32 to vector<512x512xf32>
    %select_n3A_136 = arith.select %and3A_131, %broadcast_in_dim3A_134, %broadcast_in_dim3A_135 : vector<512x512xi1>, vector<512x512xf32>
    %reduce_sum3A_137 = arith.constant dense<0.000000e+00> : vector<512xf32>
    %reduce_sum3A_138 = vector.multi_reduction <add>, %select_n3A_136, %reduce_sum3A_137 [0] : vector<512x512xf32> to vector<512xf32>
    %broadcast_in_dim3A_139 = vector.shape_cast %reduce_sum3A_138 : vector<512xf32> to vector<1x512xf32>
    %get3A_140 = arith.constant 0 : index
    %get3A_141 = arith.constant 0 : index
    %get3A_142 = vector.load %arg9[%get3A_140, %get3A_141] : memref<144x512xf32, #tpu.memory_space<vmem>>, vector<144x512xf32>
    %eq3A_143 = vector.broadcast %sub3A_129 : vector<1x512xf32> to vector<144x512xf32>
    %eq3A_144 = arith.cmpf oeq, %eq3A_143, %get3A_142 : vector<144x512xf32>
    %ne3A_145 = arith.constant 0.000000e+00 : f32
    %ne3A_146 = vector.broadcast %ne3A_145 : f32 to vector<1x512xf32>
    %ne3A_147 = arith.cmpf one, %broadcast_in_dim3A_139, %ne3A_146 : vector<1x512xf32>
    %and3A_148 = vector.broadcast %ne3A_147 : vector<1x512xi1> to vector<144x512xi1>
    %and3A_149 = arith.andi %eq3A_144, %and3A_148 : vector<144x512xi1>
    %get3A_150 = arith.constant 0 : index
    %get3A_151 = arith.constant 0 : index
    %get3A_152 = vector.load %arg8[%get3A_150, %get3A_151] : memref<144x512xf32, #tpu.memory_space<vmem>>, vector<144x512xf32>
    %jit3A_153 = arith.constant 0.000000e+00 : f32
    %broadcast_in_dim3A_154 = vector.broadcast %jit3A_153 : f32 to vector<144x512xf32>
    %select_n3A_155 = arith.select %and3A_149, %get3A_152, %broadcast_in_dim3A_154 : vector<144x512xi1>, vector<144x512xf32>
    %dot_general3A_156 = arith.constant dense<0.000000e+00> : vector<144x512xf32>
    %dot_general3A_157 = tpu.matmul %select_n3A_155, %reshape3A, %dot_general3A_156 {dimension_numbers = #tpu.dot_dimension_numbers<[1], [0], [0], [1], [0, 0, 1, 1], [], []>, precision = #tpu.contract_precision<fp32>, transpose_lhs_hint = false} : vector<144x512xf32>, vector<512x512xf32>, vector<144x512xf32> -> vector<144x512xf32>
    %mul3A = arith.mulf %dot_general3A_157, %dot_general3A_157 : vector<144x512xf32>
    %reduce_sum3A_158 = arith.constant dense<0.000000e+00> : vector<144xf32>
    %reduce_sum3A_159 = vector.multi_reduction <add>, %mul3A, %reduce_sum3A_158 [1] : vector<144x512xf32> to vector<144xf32>
    %broadcast_in_dim3A_160 = vector.shape_cast %reduce_sum3A_159 : vector<144xf32> to vector<144x1xf32>
    %sqrt3A = math.sqrt %broadcast_in_dim3A_160 : vector<144x1xf32>
    %add3A_161 = arith.constant 9.99999993E-9 : f32
    %add3A_162 = vector.broadcast %add3A_161 : f32 to vector<144x1xf32>
    %add3A_163 = arith.addf %sqrt3A, %add3A_162 : vector<144x1xf32>
    %div3A = vector.broadcast %add3A_163 : vector<144x1xf32> to vector<144x512xf32>
    %div3A_164 = arith.divf %dot_general3A_157, %div3A : vector<144x512xf32>
    %swap3A = arith.constant 0 : index
    %swap3A_165 = arith.constant 0 : index
    %swap3A_166 = vector.load %arg16[%swap3A, %swap3A_165] : memref<144x512xf32, #tpu.memory_space<vmem>>, vector<144x512xf32>
    tpu.vector_store %arg16[%swap3A, %swap3A_165], %div3A_164 {strides = array<i32>} : memref<144x512xf32, #tpu.memory_space<vmem>>, vector<144x512xf32>,
    %get3A_167 = arith.constant 0 : index
    %get3A_168 = arith.constant 0 : index
    %get3A_169 = vector.load %arg13[%get3A_167, %get3A_168] : memref<512x512xf32, #tpu.memory_space<vmem>>, vector<512x512xf32>
    %dot_general3A_170 = arith.constant dense<0.000000e+00> : vector<144x512xf32>
    %dot_general3A_171 = tpu.matmul %div3A_164, %get3A_169, %dot_general3A_170 {dimension_numbers = #tpu.dot_dimension_numbers<[1], [1], [0], [0], [0, 0, 1, 0], [], []>, transpose_lhs_hint = false} : vector<144x512xf32>, vector<512x512xf32>, vector<144x512xf32> -> vector<144x512xf32>
    %get3A_172 = arith.constant 0 : index
    %get3A_173 = arith.constant 0 : index
    %get3A_174 = vector.load %arg14[%get3A_172, %get3A_173] : memref<1x512xf32, #tpu.memory_space<vmem>>, vector<1x512xf32>
    %add3A_175 = vector.broadcast %get3A_174 : vector<1x512xf32> to vector<144x512xf32>
    %add3A_176 = arith.addf %dot_general3A_171, %add3A_175 : vector<144x512xf32>
    %swap3A_177 = arith.constant 0 : index
    %swap3A_178 = arith.constant 0 : index
    %swap3A_179 = vector.load %arg15[%swap3A_177, %swap3A_178] : memref<144x512xf32, #tpu.memory_space<vmem>>, vector<144x512xf32>
    tpu.vector_store %arg15[%swap3A_177, %swap3A_178], %add3A_176 {strides = array<i32>} : memref<144x512xf32, #tpu.memory_space<vmem>>, vector<144x512xf32>,
    %reduce_sum3A_180 = arith.constant dense<0.000000e+00> : vector<512xf32>
    %reduce_sum3A_181 = vector.multi_reduction <add>, %add3A_176, %reduce_sum3A_180 [0] : vector<144x512xf32> to vector<512xf32>
    %broadcast_in_dim3A_182 = vector.shape_cast %reduce_sum3A_181 : vector<512xf32> to vector<1x512xf32>
    %broadcast_in_dim3A_183 = vector.shape_cast %broadcast_in_dim3A_182 : vector<1x512xf32> to vector<1x1x512xf32>
    %swap3A_184 = arith.constant 0 : index
    %swap3A_185 = arith.constant 0 : index
    %swap3A_186 = arith.constant 0 : index
    %swap3A_187 = vector.load %arg17[%swap3A_184, %swap3A_185, %swap3A_186] : memref<1x1x512xf32, #tpu.memory_space<vmem>>, vector<1x1x512xf32>
    tpu.vector_store %arg17[%swap3A_184, %swap3A_185, %swap3A_186], %broadcast_in_dim3A_183 {strides = array<i32>} : memref<1x1x512xf32, #tpu.memory_space<vmem>>, vector<1x1x512xf32>,
    %mul3A_188 = arith.mulf %add3A_176, %add3A_176 : vector<144x512xf32>
    %reduce_sum3A_189 = arith.constant dense<0.000000e+00> : vector<512xf32>
    %reduce_sum3A_190 = vector.multi_reduction <add>, %mul3A_188, %reduce_sum3A_189 [0] : vector<144x512xf32> to vector<512xf32>
    %broadcast_in_dim3A_191 = vector.shape_cast %reduce_sum3A_190 : vector<512xf32> to vector<1x512xf32>
    %broadcast_in_dim3A_192 = vector.shape_cast %broadcast_in_dim3A_191 : vector<1x512xf32> to vector<1x1x512xf32>
    %swap3A_193 = arith.constant 0 : index
    %swap3A_194 = arith.constant 0 : index
    %swap3A_195 = arith.constant 0 : index
    %swap3A_196 = vector.load %arg18[%swap3A_193, %swap3A_194, %swap3A_195] : memref<1x1x512xf32, #tpu.memory_space<vmem>>, vector<1x1x512xf32>
    tpu.vector_store %arg18[%swap3A_193, %swap3A_194, %swap3A_195], %broadcast_in_dim3A_192 {strides = array<i32>} : memref<1x1x512xf32, #tpu.memory_space<vmem>>, vector<1x1x512xf32>,
    return
  }
  func.func @transform_0(%arg0: i32) -> (i32, i32, i32) {
    %c0_i32 = arith.constant 0 : i32
    %c0_i32_0 = arith.constant 0 : i32
    %c0_i32_1 = arith.constant 0 : i32
    return %arg0, %c0_i32, %c0_i32_0 : i32, i32, i32
  }
  func.func @transform_1(%arg0: i32) -> (i32, i32, i32) {
    %c0_i32 = arith.constant 0 : i32
    %c0_i32_0 = arith.constant 0 : i32
    %c0_i32_1 = arith.constant 0 : i32
    return %arg0, %c0_i32, %c0_i32_0 : i32, i32, i32
  }
  func.func @transform_2(%arg0: i32) -> (i32, i32) {
    %c0_i32 = arith.constant 0 : i32
    %c0_i32_0 = arith.constant 0 : i32
    %c0_i32_1 = arith.constant 0 : i32
    return %c0_i32, %c0_i32_0 : i32, i32
  }
  func.func @transform_3(%arg0: i32) -> (i32, i32) {
    %c0_i32 = arith.constant 0 : i32
    %c0_i32_0 = arith.constant 0 : i32
    %c0_i32_1 = arith.constant 0 : i32
    return %c0_i32, %c0_i32_0 : i32, i32
  }
  func.func @transform_4(%arg0: i32) -> (i32, i32) {
    %c0_i32 = arith.constant 0 : i32
    %c0_i32_0 = arith.constant 0 : i32
    %c0_i32_1 = arith.constant 0 : i32
    return %c0_i32, %c0_i32_0 : i32, i32
  }
  func.func @transform_5(%arg0: i32) -> (i32, i32) {
    %c0_i32 = arith.constant 0 : i32
    %c0_i32_0 = arith.constant 0 : i32
    %c0_i32_1 = arith.constant 0 : i32
    return %c0_i32, %c0_i32_0 : i32, i32
  }
  func.func @transform_6(%arg0: i32) -> (i32, i32) {
    %c0_i32 = arith.constant 0 : i32
    %c0_i32_0 = arith.constant 0 : i32
    %c0_i32_1 = arith.constant 0 : i32
    return %c0_i32, %c0_i32_0 : i32, i32
  }
  func.func @transform_7(%arg0: i32) -> (i32, i32) {
    %c0_i32 = arith.constant 0 : i32
    %c0_i32_0 = arith.constant 0 : i32
    %c0_i32_1 = arith.constant 0 : i32
    return %c0_i32, %c0_i32_0 : i32, i32
  }
  func.func @transform_8(%arg0: i32) -> (i32, i32) {
    %c0_i32 = arith.constant 0 : i32
    %c0_i32_0 = arith.constant 0 : i32
    %c0_i32_1 = arith.constant 0 : i32
    return %c0_i32, %c0_i32_0 : i32, i32
  }
  func.func @transform_9(%arg0: i32) -> (i32, i32) {
    %c0_i32 = arith.constant 0 : i32
    %c0_i32_0 = arith.constant 0 : i32
    %c0_i32_1 = arith.constant 0 : i32
    return %c0_i32, %c0_i32_0 : i32, i32
  }
  func.func @transform_10(%arg0: i32) -> (i32, i32) {
    %c0_i32 = arith.constant 0 : i32
    %c0_i32_0 = arith.constant 0 : i32
    %c0_i32_1 = arith.constant 0 : i32
    return %c0_i32, %c0_i32_0 : i32, i32
  }
  func.func @transform_11(%arg0: i32) -> (i32, i32) {
    %c0_i32 = arith.constant 0 : i32
    %c0_i32_0 = arith.constant 0 : i32
    %c0_i32_1 = arith.constant 0 : i32
    return %c0_i32, %c0_i32_0 : i32, i32
  }
  func.func @transform_12(%arg0: i32) -> (i32, i32) {
    %c0_i32 = arith.constant 0 : i32
    %c0_i32_0 = arith.constant 0 : i32
    %c0_i32_1 = arith.constant 0 : i32
    return %c0_i32, %c0_i32_0 : i32, i32
  }
  func.func @transform_13(%arg0: i32) -> (i32, i32) {
    %c0_i32 = arith.constant 0 : i32
    %c0_i32_0 = arith.constant 0 : i32
    %c0_i32_1 = arith.constant 0 : i32
    return %c0_i32, %c0_i32_0 : i32, i32
  }
  func.func @transform_14(%arg0: i32) -> (i32, i32) {
    %c0_i32 = arith.constant 0 : i32
    %c0_i32_0 = arith.constant 0 : i32
    return %arg0, %c0_i32 : i32, i32
  }
  func.func @transform_15(%arg0: i32) -> (i32, i32) {
    %c0_i32 = arith.constant 0 : i32
    %c0_i32_0 = arith.constant 0 : i32
    return %arg0, %c0_i32 : i32, i32
  }
  func.func @transform_16(%arg0: i32) -> (i32, i32, i32) {
    %c0_i32 = arith.constant 0 : i32
    %c0_i32_0 = arith.constant 0 : i32
    %c0_i32_1 = arith.constant 0 : i32
    return %arg0, %c0_i32, %c0_i32_0 : i32, i32, i32
  }
  func.func @transform_17(%arg0: i32) -> (i32, i32, i32) {
    %c0_i32 = arith.constant 0 : i32
    %c0_i32_0 = arith.constant 0 : i32
    %c0_i32_1 = arith.constant 0 : i32
    return %arg0, %c0_i32, %c0_i32_0 : i32, i32, i32
  }
}

module attributes {stable_mosaic.version = 14 : i64} {
  func.func @_k2(%arg0: i32, %arg1: memref<512x512xf32, #tpu.memory_space<vmem>>, %arg2: memref<512x512xf32, #tpu.memory_space<vmem>>, %arg3: memref<128x1x512xf32, #tpu.memory_space<vmem>>, %arg4: memref<128x1x512xf32, #tpu.memory_space<vmem>>, %arg5: memref<1024x512xbf16, #tpu.memory_space<vmem>>, %arg6: memref<1x1024xf32, #tpu.memory_space<vmem>>, %arg7: memref<1024x512xf32, #tpu.memory_space<vmem>>, %arg8: memref<1x1024xf32, #tpu.memory_space<vmem>>, %arg9: memref<1x512xf32, #tpu.memory_space<vmem>>, %arg10: memref<1x512xf32, #tpu.memory_space<vmem>>, %arg11: memref<512x1024xf32, #tpu.memory_space<vmem>>) attributes {dimension_semantics = [#tpu.dimension_semantics<parallel>], iteration_bounds = array<i64: 36>, scalar_prefetch = 0 : i64, scratch_operands = 0 : i64, tpu.core_type = #tpu.core_type<tc>, window_params = [{transform_indices = @transform_0, window_bounds = array<i64: 512, 512>}, {transform_indices = @transform_1, window_bounds = array<i64: 512, 512>}, {pipeline_mode = #tpu.pipeline_mode<synchronous>, transform_indices = @transform_2, window_bounds = array<i64: 128, 1, 512>}, {pipeline_mode = #tpu.pipeline_mode<synchronous>, transform_indices = @transform_3, window_bounds = array<i64: 128, 1, 512>}, {pipeline_mode = #tpu.pipeline_mode<synchronous>, transform_indices = @transform_4, window_bounds = array<i64: 1024, 512>}, {pipeline_mode = #tpu.pipeline_mode<synchronous>, transform_indices = @transform_5, window_bounds = array<i64: 1, 1024>}, {pipeline_mode = #tpu.pipeline_mode<synchronous>, transform_indices = @transform_6, window_bounds = array<i64: 1024, 512>}, {pipeline_mode = #tpu.pipeline_mode<synchronous>, transform_indices = @transform_7, window_bounds = array<i64: 1, 1024>}, {pipeline_mode = #tpu.pipeline_mode<synchronous>, transform_indices = @transform_8, window_bounds = array<i64: 1, 512>}, {pipeline_mode = #tpu.pipeline_mode<synchronous>, transform_indices = @transform_9, window_bounds = array<i64: 1, 512>}, {transform_indices = @transform_10, window_bounds = array<i64: 512, 1024>}]} {
    %get3A = arith.constant 0 : index
    %get3A_0 = arith.constant 0 : index
    %get3A_1 = arith.constant 0 : index
    %get3A_2 = vector.load %arg3[%get3A, %get3A_0, %get3A_1] : memref<128x1x512xf32, #tpu.memory_space<vmem>>, vector<128x1x512xf32>
    %reduce_sum3A = arith.constant dense<0.000000e+00> : vector<1x512xf32>
    %reduce_sum3A_3 = vector.multi_reduction <add>, %get3A_2, %reduce_sum3A [0] : vector<128x1x512xf32> to vector<1x512xf32>
    %div3A = arith.constant 1.843200e+04 : f32
    %div3A_4 = vector.broadcast %div3A : f32 to vector<1x512xf32>
    %div3A_5 = arith.divf %reduce_sum3A_3, %div3A_4 : vector<1x512xf32>
    %get3A_6 = arith.constant 0 : index
    %get3A_7 = arith.constant 0 : index
    %get3A_8 = arith.constant 0 : index
    %get3A_9 = vector.load %arg4[%get3A_6, %get3A_7, %get3A_8] : memref<128x1x512xf32, #tpu.memory_space<vmem>>, vector<128x1x512xf32>
    %reduce_sum3A_10 = arith.constant dense<0.000000e+00> : vector<1x512xf32>
    %reduce_sum3A_11 = vector.multi_reduction <add>, %get3A_9, %reduce_sum3A_10 [0] : vector<128x1x512xf32> to vector<1x512xf32>
    %div3A_12 = arith.constant 1.843200e+04 : f32
    %div3A_13 = vector.broadcast %div3A_12 : f32 to vector<1x512xf32>
    %div3A_14 = arith.divf %reduce_sum3A_11, %div3A_13 : vector<1x512xf32>
    %mul3A = arith.mulf %div3A_5, %div3A_5 : vector<1x512xf32>
    %sub3A = arith.subf %div3A_14, %mul3A : vector<1x512xf32>
    %add3A = arith.constant 9.99999974E-6 : f32
    %add3A_15 = vector.broadcast %add3A : f32 to vector<1x512xf32>
    %add3A_16 = arith.addf %sub3A, %add3A_15 : vector<1x512xf32>
    %rsqrt3A = math.rsqrt %add3A_16 : vector<1x512xf32>
    %get3A_17 = arith.constant 0 : index
    %get3A_18 = arith.constant 0 : index
    %get3A_19 = vector.load %arg1[%get3A_17, %get3A_18] : memref<512x512xf32, #tpu.memory_space<vmem>>, vector<512x512xf32>
    %sub3A_20 = vector.broadcast %div3A_5 : vector<1x512xf32> to vector<512x512xf32>
    %sub3A_21 = arith.subf %get3A_19, %sub3A_20 : vector<512x512xf32>
    %get3A_22 = arith.constant 0 : index
    %get3A_23 = arith.constant 0 : index
    %get3A_24 = vector.load %arg9[%get3A_22, %get3A_23] : memref<1x512xf32, #tpu.memory_space<vmem>>, vector<1x512xf32>
    %mul3A_25 = arith.mulf %rsqrt3A, %get3A_24 : vector<1x512xf32>
    %mul3A_26 = vector.broadcast %mul3A_25 : vector<1x512xf32> to vector<512x512xf32>
    %mul3A_27 = arith.mulf %sub3A_21, %mul3A_26 : vector<512x512xf32>
    %get3A_28 = arith.constant 0 : index
    %get3A_29 = arith.constant 0 : index
    %get3A_30 = vector.load %arg10[%get3A_28, %get3A_29] : memref<1x512xf32, #tpu.memory_space<vmem>>, vector<1x512xf32>
    %add3A_31 = vector.broadcast %get3A_30 : vector<1x512xf32> to vector<512x512xf32>
    %add3A_32 = arith.addf %mul3A_27, %add3A_31 : vector<512x512xf32>
    %max3A = arith.constant 0.000000e+00 : f32
    %max3A_33 = vector.broadcast %max3A : f32 to vector<512x512xf32>
    %max3A_34 = arith.maximumf %add3A_32, %max3A_33 : vector<512x512xf32>
    %get3A_35 = arith.constant 0 : index
    %get3A_36 = arith.constant 0 : index
    %get3A_37 = vector.load %arg7[%get3A_35, %get3A_36] : memref<1024x512xf32, #tpu.memory_space<vmem>>, vector<1024x512xf32>
    %dot_general3A = arith.constant dense<0.000000e+00> : vector<512x1024xf32>
    %dot_general3A_38 = tpu.matmul %max3A_34, %get3A_37, %dot_general3A {dimension_numbers = #tpu.dot_dimension_numbers<[1], [1], [0], [0], [0, 0, 1, 0], [], []>, transpose_lhs_hint = false} : vector<512x512xf32>, vector<1024x512xf32>, vector<512x1024xf32> -> vector<512x1024xf32>
    %get3A_39 = arith.constant 0 : index
    %get3A_40 = arith.constant 0 : index
    %get3A_41 = vector.load %arg8[%get3A_39, %get3A_40] : memref<1x1024xf32, #tpu.memory_space<vmem>>, vector<1x1024xf32>
    %add3A_42 = vector.broadcast %get3A_41 : vector<1x1024xf32> to vector<512x1024xf32>
    %add3A_43 = arith.addf %dot_general3A_38, %add3A_42 : vector<512x1024xf32>
    %get3A_44 = arith.constant 0 : index
    %get3A_45 = arith.constant 0 : index
    %get3A_46 = vector.load %arg2[%get3A_44, %get3A_45] : memref<512x512xf32, #tpu.memory_space<vmem>>, vector<512x512xf32>
    %convert_element_type3A = arith.truncf %get3A_46 : vector<512x512xf32> to vector<512x512xbf16>
    %get3A_47 = arith.constant 0 : index
    %get3A_48 = arith.constant 0 : index
    %get3A_49 = vector.load %arg5[%get3A_47, %get3A_48] : memref<1024x512xbf16, #tpu.memory_space<vmem>>, vector<1024x512xbf16>
    %dot_general3A_50 = arith.constant dense<0.000000e+00> : vector<512x1024xf32>
    %dot_general3A_51 = tpu.matmul %convert_element_type3A, %get3A_49, %dot_general3A_50 {dimension_numbers = #tpu.dot_dimension_numbers<[1], [1], [0], [0], [0, 0, 1, 0], [], []>, transpose_lhs_hint = false} : vector<512x512xbf16>, vector<1024x512xbf16>, vector<512x1024xf32> -> vector<512x1024xf32>
    %add3A_52 = arith.addf %add3A_43, %dot_general3A_51 : vector<512x1024xf32>
    %get3A_53 = arith.constant 0 : index
    %get3A_54 = arith.constant 0 : index
    %get3A_55 = vector.load %arg6[%get3A_53, %get3A_54] : memref<1x1024xf32, #tpu.memory_space<vmem>>, vector<1x1024xf32>
    %add3A_56 = vector.broadcast %get3A_55 : vector<1x1024xf32> to vector<512x1024xf32>
    %add3A_57 = arith.addf %add3A_52, %add3A_56 : vector<512x1024xf32>
    %swap3A = arith.constant 0 : index
    %swap3A_58 = arith.constant 0 : index
    %swap3A_59 = vector.load %arg11[%swap3A, %swap3A_58] : memref<512x1024xf32, #tpu.memory_space<vmem>>, vector<512x1024xf32>
    tpu.vector_store %arg11[%swap3A, %swap3A_58], %add3A_57 {strides = array<i32>} : memref<512x1024xf32, #tpu.memory_space<vmem>>, vector<512x1024xf32>,
    return
  }
  func.func @transform_0(%arg0: i32) -> (i32, i32) {
    %c0_i32 = arith.constant 0 : i32
    %c0_i32_0 = arith.constant 0 : i32
    return %arg0, %c0_i32 : i32, i32
  }
  func.func @transform_1(%arg0: i32) -> (i32, i32) {
    %c0_i32 = arith.constant 0 : i32
    %c0_i32_0 = arith.constant 0 : i32
    return %arg0, %c0_i32 : i32, i32
  }
  func.func @transform_2(%arg0: i32) -> (i32, i32, i32) {
    %c0_i32 = arith.constant 0 : i32
    %c0_i32_0 = arith.constant 0 : i32
    %c0_i32_1 = arith.constant 0 : i32
    %c0_i32_2 = arith.constant 0 : i32
    return %c0_i32, %c0_i32_0, %c0_i32_1 : i32, i32, i32
  }
  func.func @transform_3(%arg0: i32) -> (i32, i32, i32) {
    %c0_i32 = arith.constant 0 : i32
    %c0_i32_0 = arith.constant 0 : i32
    %c0_i32_1 = arith.constant 0 : i32
    %c0_i32_2 = arith.constant 0 : i32
    return %c0_i32, %c0_i32_0, %c0_i32_1 : i32, i32, i32
  }
  func.func @transform_4(%arg0: i32) -> (i32, i32) {
    %c0_i32 = arith.constant 0 : i32
    %c0_i32_0 = arith.constant 0 : i32
    %c0_i32_1 = arith.constant 0 : i32
    return %c0_i32, %c0_i32_0 : i32, i32
  }
  func.func @transform_5(%arg0: i32) -> (i32, i32) {
    %c0_i32 = arith.constant 0 : i32
    %c0_i32_0 = arith.constant 0 : i32
    %c0_i32_1 = arith.constant 0 : i32
    return %c0_i32, %c0_i32_0 : i32, i32
  }
  func.func @transform_6(%arg0: i32) -> (i32, i32) {
    %c0_i32 = arith.constant 0 : i32
    %c0_i32_0 = arith.constant 0 : i32
    %c0_i32_1 = arith.constant 0 : i32
    return %c0_i32, %c0_i32_0 : i32, i32
  }
  func.func @transform_7(%arg0: i32) -> (i32, i32) {
    %c0_i32 = arith.constant 0 : i32
    %c0_i32_0 = arith.constant 0 : i32
    %c0_i32_1 = arith.constant 0 : i32
    return %c0_i32, %c0_i32_0 : i32, i32
  }
  func.func @transform_8(%arg0: i32) -> (i32, i32) {
    %c0_i32 = arith.constant 0 : i32
    %c0_i32_0 = arith.constant 0 : i32
    %c0_i32_1 = arith.constant 0 : i32
    return %c0_i32, %c0_i32_0 : i32, i32
  }
  func.func @transform_9(%arg0: i32) -> (i32, i32) {
    %c0_i32 = arith.constant 0 : i32
    %c0_i32_0 = arith.constant 0 : i32
    %c0_i32_1 = arith.constant 0 : i32
    return %c0_i32, %c0_i32_0 : i32, i32
  }
  func.func @transform_10(%arg0: i32) -> (i32, i32) {
    %c0_i32 = arith.constant 0 : i32
    %c0_i32_0 = arith.constant 0 : i32
    return %arg0, %c0_i32 : i32, i32
  }
}

</mosaic_0001>

<sc_bundles>
// kernel: sparse-core-data-format-call.cloned.1.call-start
scs
called_computation_lowered:
.L_overlay_start_0:
0x0: {  	s2 =	sld [smem:$0x3FD9]  }
0x1: {  	s3 =	sld [smem:$0x3FFE];
	_ =	sdelay $0x1  }
0x2: {  	s1 =	srdreg.scid  }
0x3: {  	s0 =	sand.u32 $0x1, s1  }
0x4: {  	s18 =	sshll.u32 s0, $0xA;
	s2 =	sadd.s32 s3, s2  }
0x5: {  	s2 =	sadd.s32 s2, s18  }
0x6: {  	[smem:$0x3FBB] =	sst s2  }
0x7: {  	_ = 	snop  }
0x8: {  	s2 =	sld [smem:$0x3FD0];
	(tm) =	ssettm $0x1  }
0x9: {  	s19 =	sld [smem:$0x3FFB];
	_ =	sdelay $0x3  }
0xa: {  	_ =	strace s19  }
0xb: {  	s3 =	sld [smem:$0x3FFC];
	_ =	sdelay $0x3  }
0xc: {  	_ =	strace s3  }
0xd: {  	s3 =	sld [smem:$0x3FFD];
	_ =	sdelay $0x3  }
0xe: {  	_ =	strace s3  }
0xf: {  	_ =	strace $0x8FFFFFFF  }
0x10: {  	s20 =	sld [smem:$0x3FDB];
	_ =	sdelay $0x1  }
0x11: {  	s4 =	simm.s32 $_scs_section_size  }
0x12: {  	s5 =	simm.s32 $_size__tile_overlayer_lowered;
	s6 =	simm.s32 $_tile_overlayer_lowered  }
0x13: {  	s23 =	simm.s32 $0x1BFF;
	s22 =	sshll.u32 s6, $0x1;
	s3 =	sadd.s32 s4, s20  }
0x14: {  	s7 =	simm.s32 $0x0;
	s21 =	sshll.u32 s5, $0x1;
	s5 =	sadd.s32 s22, s3  }
0x15: {  	[timem:s7], [sflag:s23] =	dma.local [hbm:s5], s21  }
0x16: {  	_ =	swait.ge [sflag:s23], s21  }
0x17: {  	s4 =	ssub.s32 $0x0, s21;
	[sflag:s23] =	ssyncset.done $0x0  }
0x18: {  	[sflag:s23] =	ssyncadd.s32 s4;
	_ =	sdelay $0x1  }
0x19: {  	s24 =	simm.s32 $0x1B8B  }
0x1a: {  	_ =	swait.ge [sflag:s24], $0x1  }
0x1b: {  	[sflag:s24] =	ssyncset.done $0x0  }
0x1c: {  	s26 =	simm.s32 $0x1B8E;
	s25 =	sld [smem:$0x3FFE];
	[sflag:s24] =	ssyncadd.s32 $0xFFFFFFFF  }
0x1d: {  	s27 =	simm.s32 $execute0_lowered;
	[smem:$0x3FD2] =	sst s26  }
0x1e: {  	s5 =	sshll.u32 s27, $0x1;
	_ =	strace $0x80000046;
	[dreg:$0x1] =	wrdreg $0xFFFFFFFF  }
0x1f: {  	s28 =	simm.s32 $_size_execute0_lowered;
	s3 =	sadd.s32 s3, s5;
	[dreg:$0x0] =	wrdreg $0x0  }
0x20: {  	s5 =	sshll.u32 s28, $0x1;
	[dreg:$0x2] =	wrdreg s3  }
0x21: {  	[dreg:$0x3] =	wrdreg s5  }
0x22: {  	[dreg:$0x4] =	wrdreg $0xC0  }
0x23: {  	_ =	task [dreg:s7], $0x5FFFF  }
0x24: {  	[dreg:$0x1] =	wrdreg $0xFFFFFFFF  }
0x25: {  	[dreg:$0x0] =	wrdreg $0x60  }
0x26: {  	[dreg:$0x2] =	wrdreg s25  }
0x27: {  	[dreg:$0x3] =	wrdreg s2  }
0x28: {  	[dreg:$0x4] =	wrdreg $0x9  }
0x29: {  	_ =	task.clear_ibuf [dreg:s7], $0x5FFFF;
	_ =	strace $0x90000046  }
0x2a: {  	s29 =	simm.s32 $0x9;
	_ =	strace $0x80000048  }
0x2b: {  	_ =	swait.ge [sflag:s29], $0x1  }
0x2c: {  	[sflag:s29] =	ssyncadd.s32 $0xFFFFFFFF  }
0x2d: {  	_ =	strace $0x90000048  }
0x2e: {  	_ =	sfence  }
0x2f: {  	s30 =	sld [smem:$0x0];
	_ =	sdelay $0x2  }
0x30: {  	s31 =	sshll.u32 s1, $0xD;
	s1 =	sshrl.u32 s1, $0x2  }
0x31: {  	s3 =	sand.u32 $0x4000, s31;
	s1 =	sadd.s32 s1, s30  }
0x32: {  	s0 =	sor.u32 s3, s0;
	s1 =	sshll.u32 s1, $0x11  }
0x33: {  	s0 =	sor.u32 s1, s0  }
0x34: {  	s0 =	sadd.s32 $0x8F2B, s0  }
0x35: {  	[sflag:s0] =	ssyncadd.remote.s32 $0x1  }
0x36: {  	_ =	sfence.sel $0xFFFF  }
0x37: {  	[dreg:$0x0] =	wrdreg $0xFFFFFFFF;
	(pc) =	sbr.abs _section_cstart, $3  }
0x38: {  	[dreg:$0x1] =	wrdreg $0xFFFFFFFF  }
0x39: {  	_ =	task.clear_ibuf [dreg:s7], $0x2FFFF;
	_ =	strace $0x9FFFFFFF  }
0x3a: {  	(tm) =	ssettm $0x7FFFFFFF  }
0x3b: {  	_ =	shalt  }
tec
execute0_lowered:
.L_overlay_start_1:
0x0: {  	(tag) =	ssettag $0x1  }
0x1: {  	s0 =	stileid.u32;
	s1 =	srdreg.scid  }
0x2: {  	s2 =	sshll.u32 s0, $0x7;
	s3 =	sshll.u32 s0, $0x4;
	s4 =	sshll.u32 s1, $0x8  }
0x3: {  	s7 =	rddreg [dreg:$0x0];
	s1 =	sand.u32 $0x380, s2;
	s29 =	sor.u32 s3, s4  }
0x4: {  	s8 =	simm.s32 $0x2;
	s2 =	sand.u32 $0x180, s29;
	s30 =	ssub.s32 $0x400, s1  }
0x5: {  	s15 =	simm.s32 $0x0;
	s31 =	sand.u32 $0x380, s30;
	s5 =	ssub.s32 $0x400, s2  }
0x6: {  	s4 =	simm.s32 $0x1;
	p0 =	sne.s32 s31, $0x0;
	s6 =	sand.u32 $0x180, s5  }
0x7: {  	s4 =	simm.s32 @!p0 $0x0;
	p0 =	sne.s32 s6, $0x0;
	s6 =	simm.s32 $0x1  }
0x8: {  	s3 =	sshrl.u32 s30, $0xA;
	s5 =	sshrl.u32 s5, $0x9;
	s6 =	simm.s32 @!p0 $0x0  }
0x9: {  	s9 =	simm.s32 $0x2000;
	s3 =	sadd.s32 s4, s3;
	s5 =	sadd.s32 s6, s5  }
0xa: {  	s10 =	simm.s32 $0x0;
	s16 =	simm.s32 $0x0;
	s6 =	smul.u32 s5, s3  }
.Ltmp0:
0xb: {  	s17 =	simm.s32 $0x0;
	s4 =	rddreg [dreg:$0x1];
	(pc) =	sbr.rel .LBB1_1-.Ltmp0, $4  }
0xc: {  	s12 =	simm.s32 $0x0;
	s14 =	simm.s32 $0x0;
	s3 =	rddreg [dreg:$0x2]  }
0xd: {  	_ =	strace $0x80000047;
	s5 =	simm.s32 $0x1;
	s6 =	smul.u32 $0x12, s6  }
0xe: {  	s7 =	sadd.s32 $0x2800, s7;
	s13 =	smov.u32 s1;
	[sflag:s5] =	ssyncpa.u1 $0x0  }
0xf: {  	s11 =	smov.u32 s2;
	[sflag:s8] =	ssyncpa.u1 $0x0;
	s8 =	sor.u32 $0x1, s6  }
.LBB1_4:
0x10: {  	_ =	sdelay $0x3  }
0x11: {  	[tilespmem:v0+s20+$0xFFFFFFD0 ss:$0x1] =	vst.idx.msk $0xffff, v6  }
0x12: {  	v56 =	vld.idx.msk [tilespmem:v1+s19+$0x0 ss:$0x1], $0xffff;
	[tilespmem:v0+s20+$0xFFFFFFE0 ss:$0x1] =	vst.idx.msk $0xffff, v4  }
0x13: {  	v57 =	vld.idx.msk [tilespmem:v1+s19+$0xFFFFFF90 ss:$0x1], $0xffff;
	[tilespmem:v0+s20+$0xFFFFFFF0 ss:$0x1] =	vst.idx.msk $0xffff, v2  }
0x14: {  	v58 =	vld.idx.msk [tilespmem:v1+s19+$0xFFFFFFA0 ss:$0x1], $0xffff;
	[tilespmem:v0+s20+$0x0 ss:$0x1] =	vst.idx.msk $0xffff, v3  }
0x15: {  	v59 =	vld.idx.msk [tilespmem:v1+s19+$0xFFFFFFB0 ss:$0x1], $0xffff;
	[tilespmem:v0+s20+$0x10 ss:$0x1] =	vst.idx.msk $0xffff, v5  }
0x16: {  	v60 =	vld.idx.msk [tilespmem:v1+s19+$0xFFFFFFC0 ss:$0x1], $0xffff;
	[tilespmem:v0+s20+$0x20 ss:$0x1] =	vst.idx.msk $0xffff, v7  }
0x17: {  	v61 =	vld.idx.msk [tilespmem:v1+s19+$0xFFFFFFD0 ss:$0x1], $0xffff;
	[tilespmem:v0+s19+$0x30 ss:$0x1] =	vst.idx.msk $0xffff, v56  }
0x18: {  	v62 =	vld.idx.msk [tilespmem:v1+s19+$0xFFFFFFE0 ss:$0x1], $0xffff;
	[tilespmem:v0+s19+$0xFFFFFFC0 ss:$0x1] =	vst.idx.msk $0xffff, v57  }
0x19: {  	v63 =	vld.idx.msk [tilespmem:v1+s19+$0xFFFFFFF0 ss:$0x1], $0xffff;
	s17 =	sshll.u32 s17, $0x7;
	[tilespmem:v0+s19+$0xFFFFFFD0 ss:$0x1] =	vst.idx.msk $0xffff, v58  }
0x1a: {  	s30 =	sand.u32 $0x78, s15;
	s16 =	sshll.u32 s16, $0x11;
	s21 =	sand.u32 $0x380, s17;
	[tilespmem:v0+s19+$0xFFFFFFE0 ss:$0x1] =	vst.idx.msk $0xffff, v59  }
0x1b: {  	s31 =	sand.u32 $0x7, s15;
	s17 =	sand.u32 $0x1FC00, s17;
	s20 =	sor.u32 s21, s30;
	[tilespmem:v0+s19+$0xFFFFFFF0 ss:$0x1] =	vst.idx.msk $0xffff, v60  }
0x1c: {  	s16 =	sadd.s32 s4, s16;
	s17 =	sadd.s32 s15, s17;
	s20 =	sshrl.u32 s20, $0x3;
	[tilespmem:v0+s19+$0x0 ss:$0x1] =	vst.idx.msk $0xffff, v61  }
0x1d: {  	s15 =	sshll.u32 s31, $0x12;
	s17 =	sand.u32 $0x1FF80, s17;
	s16 =	sadd.s32 s20, s16;
	[tilespmem:v0+s19+$0x10 ss:$0x1] =	vst.idx.msk $0xffff, v62  }
0x1e: {  	s15 =	sor.u32 $0x400, s15;
	[tilespmem:v0+s19+$0x20 ss:$0x1] =	vst.idx.msk $0xffff, v63;
	s16 =	sadd.s32 s17, s16  }
0x1f: {  	[hbm4b:s16+s15] =	stream.strided.scatter [tilespmem:s18], [sflag:$0x2], $0x4000, s9, s15, $0x38;
	[tilespmem:$0x10000] =	vst v63  }
.LBB1_5:
0x20: {  	s18 =	sadd.s32 $0x200, s11  }
0x21: {  	s15 =	simm.s32 $0x1;
	p1 =	sgt.s32 s18, $0x3FF  }
0x22: {  	s15 =	simm.s32 @!p1 $0x0  }
0x23: {  	s19 =	sadd.s32 s15, s12  }
0x24: {  	s21 =	smov.u32 s13;
	s15 =	sadd.s32 $0x400, s13;
	p2 =	sgt.s32 s19, $0x11  }
0x25: {  	s21 =	smov.u32 @p2 s15  }
0x26: {  	p0 =	slt.u32 s14, $0x2;
	s18 =	smov.u32 @p1 s2;
	p1 =	sgt.s32 s21, $0x3FF  }
0x27: {  	s20 =	simm.s32 @!p0 $0x2;
	s21 =	smov.u32 @p1 s1;
	p1 =	sne.s32 s14, s8  }
.Ltmp1:
0x28: {  	_ =	swait.ge @!p0 [sflag:s20], $0x4000;
	(pc) =	sbr.rel @!p1 .LBB1_6-.Ltmp1, $4  }
0x29: {  	s16 =	smov.u32 s12;
	[sflag:s20] =	ssyncset.done @!p0 $0x0  }
0x2a: {  	s17 =	smov.u32 s13;
	s10 =	sadd.s32 $0x4000, s10;
	[sflag:s20] =	ssyncadd.s32 @!p0 $0xFFFFC000  }
0x2b: {  	s19 =	simm.s32 @p2 $0x0;
	s15 =	smov.u32 s11;
	s11 =	smov.u32 s18  }
0x2c: {  	s12 =	smov.u32 s19;
	s14 =	sadd.s32 $0x1, s14;
	s13 =	smov.u32 s21  }
.LBB1_1:
0x2d: {  	p0 =	sge.u32 s14, s6  }
0x2e: {  	s18 =	sshll.u32 @!p0 s12, $0xA  }
0x2f: {  	s19 =	sshll.u32 @!p0 s11, $0x3;
	s18 =	sand.u32 @!p0 $0xFFFFE000, s18  }
0x30: {  	s18 =	sadd.s32 @!p0 s18, s19  }
0x31: {  	s18 =	sshrl.u32 @!p0 s18, $0xA  }
0x32: {  	s19 =	smulhi.u32 @!p0 $0xAAAAAAB, s18  }
0x33: {  	s20 =	sshll.u32 @!p0 s12, $0x7;
	s22 =	smul.u32 @!p0 $0xC00, s13  }
0x34: {  	s21 =	sand.u32 @!p0 $0x78, s11;
	s20 =	sand.u32 @!p0 $0x380, s20;
	s19 =	smul.u32 @!p0 $0x18, s19  }
0x35: {  	s31 =	sadd.s32 $0xFFFFFFFF, s14;
	s20 =	sor.u32 @!p0 s21, s20;
	s21 =	sadd.s32 @!p0 s7, s22  }
0x36: {  	s20 =	sshrl.u32 @!p0 s20, $0x3;
	s18 =	ssub.s32 @!p0 s18, s19;
	s19 =	sxor.u32 @!p0 $0xFFFFFFFF, s14  }
0x37: {  	s20 =	sadd.s32 @!p0 s20, s21;
	s21 =	sand.u32 @!p0 $0x7, s11;
	s19 =	sshll.u32 @!p0 s19, $0xE  }
0x38: {  	s21 =	sshll.u32 @!p0 s21, $0x12;
	s18 =	sshll.u32 @!p0 s18, $0x7;
	s19 =	sand.u32 @!p0 $0x4000, s19  }
0x39: {  	s18 =	sadd.s32 @!p0 s18, s20;
	s20 =	sor.u32 @!p0 $0x80, s21;
	s21 =	simm.s32 @!p0 $0x6000  }
0x3a: {  	[tilespmem:s19], [sflag:$0x1] =	stream.strided.gather @!p0 [hbm4b:s18+s20], $0x4000, s21, s20, $0x38;
	[tilespmem:$0x10000] =	vst v63  }
0x3b: {  	p0 =	sge.u32 s31, s6  }
.Ltmp2:
0x3c: {  	_ = 	snop;
	(pc) =	sbr.rel @p0 .LBB1_5-.Ltmp2, $1  }
0x3d: {  	_ =	sdelay $0x3  }
0x3e: {  	s18 =	sand.u32 $0x4000, s10  }
0x3f: {  	s19 =	sor.u32 $0x70, s18  }
0x40: {  	v1 =	vmov s19;
	_ =	sdelay $0x1  }
0x41: {  	_ =	swait.ge [sflag:s5], $0x4000  }
0x42: {  	[sflag:s5] =	ssyncset.done $0x0  }
0x43: {  	s20 =	simm.s32 $0x0;
	[sflag:s5] =	ssyncadd.s32 $0xFFFFC000  }
0x44: {  	s18 =	sor.u32 $0x8040, s18;
	v7 =	vld.idx.msk [tilespmem:v1+s20+$0x0 ss:$0x1], $0xffff  }
0x45: {  	v0 =	vmov s18;
	v8 =	vld.idx.msk [tilespmem:v1+s20+$0xFFFFFF90 ss:$0x1], $0xffff  }
0x46: {  	v6 =	vld.idx.msk [tilespmem:v1+s20+$0xFFFFFFA0 ss:$0x1], $0xffff  }
0x47: {  	v4 =	vld.idx.msk [tilespmem:v1+s20+$0xFFFFFFB0 ss:$0x1], $0xffff  }
0x48: {  	v2 =	vld.idx.msk [tilespmem:v1+s20+$0xFFFFFFC0 ss:$0x1], $0xffff  }
0x49: {  	s31 =	sshll.u32 s14, $0xE;
	v3 =	vld.idx.msk [tilespmem:v1+s20+$0xFFFFFFD0 ss:$0x1], $0xffff  }
0x4a: {  	s18 =	sand.u32 $0x4000, s31;
	v5 =	vld.idx.msk [tilespmem:v1+s20+$0xFFFFFFE0 ss:$0x1], $0xffff;
	[tilespmem:v0+s20+$0x30 ss:$0x1] =	vst.idx.msk $0xffff, v7  }
0x4b: {  	s21 =	simm.s32 $0x400;
	s19 =	simm.s32 $0x80;
	s18 =	sor.u32 $0x8000, s18;
	[tilespmem:v0+s20+$0xFFFFFFC0 ss:$0x1] =	vst.idx.msk $0xffff, v8;
	v7 =	vld.idx.msk [tilespmem:v1+s20+$0xFFFFFFF0 ss:$0x1], $0xffff  }
.LBB1_3:
0x4c: {  	p0 =	sne.s32 s21, $0xFE00;
	v8 =	vld.idx.msk [tilespmem:v1+s19+$0x0 ss:$0x1], $0xffff;
	[tilespmem:v0+s20+$0xFFFFFFD0 ss:$0x1] =	vst.idx.msk $0xffff, v6  }
0x4d: {  	v9 =	vld.idx.msk [tilespmem:v1+s19+$0xFFFFFF90 ss:$0x1], $0xffff;
	[tilespmem:v0+s20+$0xFFFFFFE0 ss:$0x1] =	vst.idx.msk $0xffff, v4  }
0x4e: {  	v6 =	vld.idx.msk [tilespmem:v1+s19+$0xFFFFFFA0 ss:$0x1], $0xffff;
	[tilespmem:v0+s20+$0xFFFFFFF0 ss:$0x1] =	vst.idx.msk $0xffff, v2  }
.Ltmp3:
0x4f: {  	v4 =	vld.idx.msk [tilespmem:v1+s19+$0xFFFFFFB0 ss:$0x1], $0xffff;
	[tilespmem:v0+s20+$0x0 ss:$0x1] =	vst.idx.msk $0xffff, v3;
	(pc) =	sbr.rel @p0 .LBB1_3-.Ltmp3, $4  }
0x50: {  	v2 =	vld.idx.msk [tilespmem:v1+s19+$0xFFFFFFC0 ss:$0x1], $0xffff;
	[tilespmem:v0+s20+$0x10 ss:$0x1] =	vst.idx.msk $0xffff, v5  }
0x51: {  	v3 =	vld.idx.msk [tilespmem:v1+s19+$0xFFFFFFD0 ss:$0x1], $0xffff;
	[tilespmem:v0+s20+$0x20 ss:$0x1] =	vst.idx.msk $0xffff, v7;
	s20 =	smov.u32 s19  }
0x52: {  	v5 =	vld.idx.msk [tilespmem:v1+s20+$0xFFFFFFE0 ss:$0x1], $0xffff;
	[tilespmem:v0+s20+$0x30 ss:$0x1] =	vst.idx.msk $0xffff, v8  }
0x53: {  	s19 =	sshra.s32 s21, $0x2;
	s21 =	sadd.s32 $0x200, s21;
	[tilespmem:v0+s20+$0xFFFFFFC0 ss:$0x1] =	vst.idx.msk $0xffff, v9;
	v7 =	vld.idx.msk [tilespmem:v1+s20+$0xFFFFFFF0 ss:$0x1], $0xffff  }
.Ltmp4:
0x54: {  	_ = 	snop;
	(pc) =	sbr.rel .LBB1_4-.Ltmp4, $1  }
0x55: {  	_ =	sdelay $0x3  }
.LBB1_6:
0x56: {  	_ =	sfence.sel $0x180000  }
0x57: {  	s1 =	simm.s32 $0x1;
	[bflag:$0x0] =	sbarrier.arrive $0xFFFF  }
0x58: {  	s31 =	simm.s32 $0x2;
	[sflag:s1] =	ssyncpa.u1 $0x1  }
0x59: {  	[sflag:s31] =	ssyncpa.u1 $0x1  }
0x5a: {  	p0 =	sne.s32 s0, $0x0;
	_ =	strace $0x90000047  }
0x5b: {  	s0 =	sadd.s32 @!p0 $0x100000, s3;
	[bflag:$0x2] =	sbarrier.arrive $0xFFFF  }
0x5c: {  	[sflag:s0] =	ssyncadd.tile.s32 @!p0 $0x1;
	_ =	shalt  }
.Lfunc_end1:
_tile_overlayer_lowered:
.L_overlay_start_2:
0x5d: {  	(tag) =	ssettag $0x2  }
0x5e: {  	s0 =	rddreg [dreg:$0x0];
	s2 =	stileid.u32  }
0x5f: {  	s1 =	rddreg [dreg:$0x1];
	p0 =	sne.s32 s2, $0x0  }
0x60: {  	s3 =	rddreg [dreg:$0x2];
	[bflag:$0x3] =	sbarrier.arrive $0xFFFF;
	s2 =	simm.s32 @!p0 $0x1C01  }
0x61: {  	[timem:s3], [sflag:s2] =	dma.local @!p0 [hbm:s0], s1  }
0x62: {  	s0 =	simm.s32 @!p0 $0x1  }
0x63: {  	_ =	swait.ge @!p0 [sflag:s0], s1  }
0x64: {  	s1 =	ssub.s32 @!p0 $0x0, s1;
	[sflag:s0] =	ssyncset.done @!p0 $0x0  }
0x65: {  	[sflag:s0] =	ssyncadd.s32 @!p0 s1  }
0x66: {  	[bflag:$0x3] =	sbarrier.arrive $0xFFFF  }
0x67: {  	_ =	shalt  }

</sc_bundles>
